<compile_context>
chip_gen: v7x
topology: tpu7x:2x2x1
jax: 0.10.2.dev20260603
libtpu: 0.0.44.dev20260713+nightly
codegen_flags: <defaults>
</compile_context>

<pallas_src>
import functools

import jax
import jax.numpy as jnp
from jax import lax
from jax.experimental import pallas as pl
from jax.experimental.pallas import tpu as pltpu
from jax.experimental.pallas import tpu_sc as plsc

NN = 10000
EE = 320000
FF = 128

NC, NS, LANES = 2, 16, 16
NW = NC * NS
NP = 10240
ROWS_PER_TILE = NP // NS
EB = 128
NB = 80
EPW = NB * EB
EPAD = NW * EPW
DUMMY = NN

BN = 1024
GRID_N = NP // BN
BM = 200

_mesh = plsc.VectorSubcoreMesh(core_axis_name="c", subcore_axis_name="s")



def _deg_body(dst_hbm, out_hbm, didx, hist):
    cid = lax.axis_index("c")
    sid = lax.axis_index("s")
    wid = cid * NS + sid
    zero16 = jnp.zeros((LANES,), jnp.float32)

    def zh(i, c):
        hist[pl.ds(i * LANES, LANES)] = zero16
        return c
    lax.fori_loop(0, NP // LANES, zh, 0)

    pltpu.sync_copy(dst_hbm.at[wid], didx)
    one16 = jnp.full((LANES,), 1.0, jnp.float32)

    def blk(b, c):
        for j in range(EB // LANES):
            idx = didx[b, pl.ds(j * LANES, LANES)]
            plsc.addupdate_scatter(hist, [idx], one16)
        return c
    lax.fori_loop(0, NB, blk, 0)
    pltpu.sync_copy(hist, out_hbm.at[wid])


@jax.jit
def _sc_degree(dst3):
    return pl.kernel(
        _deg_body,
        out_type=jax.ShapeDtypeStruct((NW, NP), jnp.float32),
        mesh=_mesh,
        compiler_params=pltpu.CompilerParams(needs_layout_passes=False),
        scratch_types=[
            pltpu.VMEM((NB, EB), jnp.int32),
            pltpu.VMEM((NP,), jnp.float32),
        ],
    )(dst3)


GCH = 16
NB0 = 96
NB1 = 64
NGCH0 = NB0 // GCH
NGCH1 = NB1 // GCH
PAIR = 2 * GCH


def _scat_body(u_hbm, src0_hbm, dst0_hbm, src1_hbm, dst1_hbm, out_hbm,
               sidx, didx, rows0, rows1, zblk, acc,
               semr0, semr1, semi0, semi1):
    rows = (rows0, rows1)
    semr = (semr0, semr1)
    semi = (semi0, semi1)
    cid = lax.axis_index("c")
    sid = lax.axis_index("s")
    base = sid * ROWS_PER_TILE
    zero16 = jnp.zeros((LANES,), jnp.float32)

    def edge_pipeline(src_hbm, dst_hbm, ngch):
        npair = ngch // 2

        def load_idx(ch, p):
            pltpu.async_copy(src_hbm.at[sid, ch], sidx.at[p], semi[p])
            pltpu.async_copy(dst_hbm.at[sid, ch], didx.at[p], semi[p])

        def wait_idx(ch, p):
            pltpu.make_async_copy(src_hbm.at[sid, ch], sidx.at[p],
                                  semi[p]).wait()
            pltpu.make_async_copy(dst_hbm.at[sid, ch], didx.at[p],
                                  semi[p]).wait()

        load_idx(0, 0)
        load_idx(1, 1)
        wait_idx(0, 0)
        for r in range(2):
            pltpu.async_copy(u_hbm.at[sidx.at[0, r]], rows[r], semr[r])

        def pair(g, c):
            not_last = g < npair - 1
            for q in range(PAIR):
                p, j = divmod(q, GCH)
                r = q & 1
                pltpu.make_async_copy(u_hbm.at[sidx.at[p, j]], rows[r],
                                      semr[r]).wait()
                pltpu.sync_copy(rows[r], acc.at[didx.at[p, j]], add=True)
                if q == GCH - 1:
                    @pl.when(not_last)
                    def _():
                        load_idx(2 * g + 2, 0)
                if q == PAIR - 1:
                    @pl.when(not_last)
                    def _():
                        load_idx(2 * g + 3, 1)
                nxt = q + 2
                if nxt < PAIR:
                    npp, nj = divmod(nxt, GCH)
                    if nj == 0:
                        wait_idx(2 * g + 1, 1)
                    pltpu.async_copy(u_hbm.at[sidx.at[npp, nj]], rows[r],
                                     semr[r])
                else:
                    @pl.when(not_last)
                    def _():
                        if nxt == PAIR:
                            wait_idx(2 * g + 2, 0)
                        pltpu.async_copy(u_hbm.at[sidx.at[0, nxt - PAIR]],
                                         rows[r], semr[r])
            return c
        lax.fori_loop(0, npair, pair, 0)

    with jax.named_scope("phase_zero"):
        def zrow(r, c):
            for j in range(FF // LANES):
                zblk[r, pl.ds(j * LANES, LANES)] = zero16
            return c
        lax.fori_loop(0, 32, zrow, 0)

        def zcopy(k, c):
            pltpu.sync_copy(zblk, acc.at[pl.ds(base + k * 32, 32)])
            return c
        lax.fori_loop(0, ROWS_PER_TILE // 32, zcopy, 0)
    with jax.named_scope("phase_bar1"):
        plsc.subcore_barrier()

    with jax.named_scope("phase_edges"):
        @pl.when(cid == 0)
        def _():
            edge_pipeline(src0_hbm, dst0_hbm, NGCH0)

        @pl.when(cid == 1)
        def _():
            edge_pipeline(src1_hbm, dst1_hbm, NGCH1)

    with jax.named_scope("phase_bar2"):
        plsc.subcore_barrier()
    with jax.named_scope("phase_dump"):
        pltpu.sync_copy(acc.at[pl.ds(base, ROWS_PER_TILE)],
                        out_hbm.at[cid, pl.ds(base, ROWS_PER_TILE)])


@jax.jit
def _sc_scatter(u, src0, dst0, src1, dst1):
    return pl.kernel(
        _scat_body,
        out_type=jax.ShapeDtypeStruct((NC, NP, FF), jnp.float32),
        mesh=_mesh,
        scratch_types=[
            pltpu.VMEM((2, GCH, EB), jnp.int32),
            pltpu.VMEM((2, GCH, EB), jnp.int32),
            pltpu.VMEM((EB, FF), jnp.float32),
            pltpu.VMEM((EB, FF), jnp.float32),
            pltpu.VMEM((32, FF), jnp.float32),
            pltpu.VMEM_SHARED((NP, FF), jnp.float32),
            pltpu.SemaphoreType.DMA,
            pltpu.SemaphoreType.DMA,
            pltpu.SemaphoreType.DMA,
            pltpu.SemaphoreType.DMA,
        ],
    )(u, src0, dst0, src1, dst1)



def _prep_body(parts_ref, x_ref, dinv_ref, u0_ref):
    deg = jnp.sum(parts_ref[...], axis=0) + 1.0
    dinv = lax.rsqrt(deg)
    dinv_ref[...] = dinv
    u0_ref[...] = x_ref[...] * dinv[:, None]


@jax.jit
def _tc_prep(parts, x):
    return pl.pallas_call(
        _prep_body,
        grid=(GRID_N,),
        in_specs=[
            pl.BlockSpec((NW, BN), lambda i: (0, i)),
            pl.BlockSpec((BN, FF), lambda i: (i, 0)),
        ],
        out_specs=[
            pl.BlockSpec((BN,), lambda i: (i,)),
            pl.BlockSpec((BN, FF), lambda i: (i, 0)),
        ],
        out_shape=[
            jax.ShapeDtypeStruct((NP,), jnp.float32),
            jax.ShapeDtypeStruct((NP, FF), jnp.float32),
        ],
    )(parts, x)


def _l1_body(s_ref, sb_ref, u0_ref, dinv_ref, w_ref, b_ref, o1, o2, o3):
    dinv = dinv_ref[...][:, None]
    p = (s_ref[0] + sb_ref[0] + u0_ref[...]) * dinv
    h = jnp.dot(p, w_ref[...], preferred_element_type=jnp.float32) + b_ref[...]
    h = jnp.maximum(h, 0.0) * dinv
    o1[...] = h[:, :FF]
    o2[...] = h[:, FF:2 * FF]
    o3[...] = h[:, 2 * FF:]


@jax.jit
def _tc_l1(s0, s0b, u0, dinv, w1, b1):
    blk = pl.BlockSpec((BN, FF), lambda i: (i, 0))
    return pl.pallas_call(
        _l1_body,
        grid=(GRID_N,),
        in_specs=[
            pl.BlockSpec((1, BN, FF), lambda i: (0, i, 0)),
            pl.BlockSpec((1, BN, FF), lambda i: (0, i, 0)),
            blk,
            pl.BlockSpec((BN,), lambda i: (i,)),
            pl.BlockSpec((FF, 3 * FF), lambda i: (0, 0)),
            pl.BlockSpec((1, 3 * FF), lambda i: (0, 0)),
        ],
        out_specs=[blk, blk, blk],
        out_shape=[jax.ShapeDtypeStruct((NP, FF), jnp.float32)] * 3,
    )(s0, s0b, u0, dinv, w1, b1)


def _fuse_body(sa_ref, sa2_ref, sb_ref, sb2_ref, sc_ref, sc2_ref,
               ua_ref, ub_ref, uc_ref, dinv_ref,
               wa_ref, ba_ref, ws_ref, bs_ref, wt_ref, bt_ref,
               aw0_ref, ab0_ref, aw1_ref, ab1_ref, aw2_ref, ab2_ref,
               u2_ref, at0_ref, at1_ref, at2_ref):
    dinv = dinv_ref[...][:, None]

    def head(s_ref, s2_ref, u_ref, w_ref, b_ref):
        q = (s_ref[0] + s2_ref[0] + u_ref[...]) * dinv
        h = jnp.dot(q, w_ref[...], preferred_element_type=jnp.float32)
        return jnp.maximum(h + b_ref[...], 0.0)

    ha = head(sa_ref, sa2_ref, ua_ref, wa_ref, ba_ref)
    hs = head(sb_ref, sb2_ref, ub_ref, ws_ref, bs_ref)
    ht = head(sc_ref, sc2_ref, uc_ref, wt_ref, bt_ref)
    hcat = jnp.concatenate([ha, hs, ht], axis=1)
    a0 = jnp.dot(hcat, aw0_ref[...], preferred_element_type=jnp.float32) + ab0_ref[...]
    a1 = jnp.dot(hcat, aw1_ref[...], preferred_element_type=jnp.float32) + ab1_ref[...]
    a2 = jnp.dot(hcat, aw2_ref[...], preferred_element_type=jnp.float32) + ab2_ref[...]
    m = jnp.maximum(jnp.maximum(a0, a1), a2)
    e0 = jnp.exp(a0 - m)
    e1 = jnp.exp(a1 - m)
    e2 = jnp.exp(a2 - m)
    inv = 1.0 / (e0 + e1 + e2)
    t0 = e0 * inv
    t1 = e1 * inv
    t2 = e2 * inv
    h = ha * t0 + hs * t1 + ht * t2
    u2_ref[...] = h * dinv
    at0_ref[...] = t0
    at1_ref[...] = t1
    at2_ref[...] = t2


@jax.jit
def _tc_fuse(sa, sa2, sb, sb2, sc, sc2, ua, ub, uc, dinv, wa, ba, ws, bs,
             wt, bt, aw0, ab0, aw1, ab1, aw2, ab2):
    blk = pl.BlockSpec((BN, FF), lambda i: (i, 0))
    sblk = pl.BlockSpec((1, BN, FF), lambda i: (0, i, 0))
    wblk = pl.BlockSpec((FF, FF), lambda i: (0, 0))
    bblk = pl.BlockSpec((1, FF), lambda i: (0, 0))
    awblk = pl.BlockSpec((3 * FF, FF), lambda i: (0, 0))
    return pl.pallas_call(
        _fuse_body,
        grid=(GRID_N,),
        in_specs=[
            sblk, sblk, sblk, sblk, sblk, sblk, blk, blk, blk,
            pl.BlockSpec((BN,), lambda i: (i,)),
            wblk, bblk, wblk, bblk, wblk, bblk,
            awblk, bblk, awblk, bblk, awblk, bblk,
        ],
        out_specs=[blk, blk, blk, blk],
        out_shape=[jax.ShapeDtypeStruct((NP, FF), jnp.float32)] * 4,
    )(sa, sa2, sb, sb2, sc, sc2, ua, ub, uc, dinv, wa, ba, ws, bs, wt, bt,
      aw0, ab0, aw1, ab1, aw2, ab2)


def _dec_body(s_ref, sb_ref, u2_ref, dinv_ref, wx_ref, bx_ref, ws_ref,
              bs_ref, x_ref, h_ref):
    dinv = dinv_ref[...][:, None]
    r = (s_ref[0] + sb_ref[0] + u2_ref[...]) * dinv
    x_ref[...] = jnp.dot(r, wx_ref[...], preferred_element_type=jnp.float32) + bx_ref[...]
    h_ref[...] = jnp.dot(r, ws_ref[...], preferred_element_type=jnp.float32) + bs_ref[...]


@jax.jit
def _tc_dec(s2, s2b, u2, dinv, wx, bx, ws, bs):
    blk = pl.BlockSpec((BN, FF), lambda i: (i, 0))
    return pl.pallas_call(
        _dec_body,
        grid=(GRID_N,),
        in_specs=[
            pl.BlockSpec((1, BN, FF), lambda i: (0, i, 0)),
            pl.BlockSpec((1, BN, FF), lambda i: (0, i, 0)),
            blk,
            pl.BlockSpec((BN,), lambda i: (i,)),
            pl.BlockSpec((FF, FF), lambda i: (0, 0)),
            pl.BlockSpec((1, FF), lambda i: (0, 0)),
            pl.BlockSpec((FF, FF), lambda i: (0, 0)),
            pl.BlockSpec((1, FF), lambda i: (0, 0)),
        ],
        out_specs=[blk, blk],
        out_shape=[jax.ShapeDtypeStruct((NP, FF), jnp.float32)] * 2,
    )(s2, s2b, u2, dinv, wx, bx, ws, bs)


def _gram_body(a_ref, b_ref, o_ref):
    o_ref[...] = lax.dot_general(
        a_ref[...], b_ref[...], (((1,), (1,)), ((), ())),
        preferred_element_type=jnp.float32)


@jax.jit
def _tc_gram(h):
    return pl.pallas_call(
        _gram_body,
        grid=(NN // BM,),
        in_specs=[
            pl.BlockSpec((BM, FF), lambda i: (i, 0)),
            pl.BlockSpec((NN, FF), lambda i: (0, 0)),
        ],
        out_specs=pl.BlockSpec((BM, NN), lambda i: (i, 0)),
        out_shape=jax.ShapeDtypeStruct((NN, NN), jnp.float32),
    )(h, h)



def kernel(x, edge_index, a1_W, a1_b, a2_W, a2_b, s1_W, s1_b, s2_W, s2_b,
           t1_W, t1_b, t2_W, t2_b, att_W, att_b, dx_W, dx_b, ds_W, ds_b):
    pad = EPAD - EE
    src3 = jnp.concatenate(
        [edge_index[0], jnp.zeros((pad,), jnp.int32)]).reshape(NW, NB, EB)
    dst3 = jnp.concatenate(
        [edge_index[1],
         DUMMY + jnp.arange(pad, dtype=jnp.int32) % (NP - NN)]
    ).reshape(NW, NB, EB)
    src_p = src3.reshape(-1)
    dst_p = dst3.reshape(-1)
    cut = NS * NB0 * EB
    src0 = src_p[:cut].reshape(NS, NGCH0, GCH, EB)
    dst0 = dst_p[:cut].reshape(NS, NGCH0, GCH, EB)
    src1 = src_p[cut:].reshape(NS, NGCH1, GCH, EB)
    dst1 = dst_p[cut:].reshape(NS, NGCH1, GCH, EB)

    def scat2(u):
        s = _sc_scatter(u, src0, dst0, src1, dst1)
        return s[0:1], s[1:2]

    xp = jnp.pad(x, ((0, NP - NN), (0, 0)))
    deg_parts = _sc_degree(dst3)
    dinv, u0 = _tc_prep(deg_parts, xp)

    s0a, s0b = scat2(u0)
    w1 = jnp.concatenate([a1_W, s1_W, t1_W], axis=1)
    b1 = jnp.concatenate([a1_b, s1_b, t1_b]).reshape(1, 3 * FF)
    u1a, u1b, u1c = _tc_l1(s0a, s0b, u0, dinv, w1, b1)

    s1aa, s1ab = scat2(u1a)
    s1ba, s1bb = scat2(u1b)
    s1ca, s1cb = scat2(u1c)

    aw = [att_W[:, k::3] for k in range(3)]
    ab = [att_b[k::3].reshape(1, FF) for k in range(3)]
    u2, at0, at1, at2 = _tc_fuse(
        s1aa, s1ab, s1ba, s1bb, s1ca, s1cb, u1a, u1b, u1c, dinv,
        a2_W, a2_b.reshape(1, FF), s2_W, s2_b.reshape(1, FF),
        t2_W, t2_b.reshape(1, FF),
        aw[0], ab[0], aw[1], ab[1], aw[2], ab[2])

    s2a, s2b = scat2(u2)
    x_, h_ = _tc_dec(s2a, s2b, u2, dinv,
                     dx_W, dx_b.reshape(1, FF), ds_W, ds_b.reshape(1, FF))
    s_ = _tc_gram(h_[:NN])
    att = jnp.stack([at0[:NN], at1[:NN], at2[:NN]], axis=-1)
    return (x_[:NN], s_, att)

# --- scband reference (transcript-rebuilt; emitter-appended) ---
"""Pipeline reference for scband-re-model-base-6141803233549 (READ-ONLY COPY).

The authoritative reference and input builder live on the scoring server;
editing this copy changes nothing except your own understanding.
"""

import jax, jax.numpy as jnp
import numpy as np

N = 10000
E = 320000
IN = 128
H = 128


def _w(key, fan_in, fan_out):
    return jax.random.normal(key, (fan_in, fan_out), dtype=jnp.float32) / np.sqrt(fan_in)


def setup_inputs(seed: int = 0) -> dict:
    key = jax.random.key(seed)
    ks = jax.random.split(key, 24)
    x = jax.random.normal(ks[0], (N, IN), dtype=jnp.float32)
    edge_index = jax.random.randint(ks[1], (2, E), 0, N, dtype=jnp.int32)
    inp = {"x": x, "edge_index": edge_index}
    # attr encoder
    inp["a1_W"] = _w(ks[2], IN, H); inp["a1_b"] = jnp.zeros((H,), jnp.float32)
    inp["a2_W"] = _w(ks[3], H, H); inp["a2_b"] = jnp.zeros((H,), jnp.float32)
    # struct encoder
    inp["s1_W"] = _w(ks[4], IN, H); inp["s1_b"] = jnp.zeros((H,), jnp.float32)
    inp["s2_W"] = _w(ks[5], H, H); inp["s2_b"] = jnp.zeros((H,), jnp.float32)
    # topology encoder
    inp["t1_W"] = _w(ks[6], IN, H); inp["t1_b"] = jnp.zeros((H,), jnp.float32)
    inp["t2_W"] = _w(ks[7], H, H); inp["t2_b"] = jnp.zeros((H,), jnp.float32)
    # attention linear (stored pre-transposed: y = x @ W + b)
    inp["att_W"] = _w(ks[8], 3 * H, 3 * H); inp["att_b"] = jnp.zeros((3 * H,), jnp.float32)
    # decoders (single-layer GCN each: hid -> in)
    inp["dx_W"] = _w(ks[9], H, IN); inp["dx_b"] = jnp.zeros((IN,), jnp.float32)
    inp["ds_W"] = _w(ks[10], H, IN); inp["ds_b"] = jnp.zeros((IN,), jnp.float32)
    return inp


def gcn_conv(x, edge_index, W, b):
    # GCNConv: add self-loops, symmetric normalization D^-1/2 (A+I) D^-1/2 X W + b
    n = x.shape[0]
    loops = jnp.arange(n, dtype=edge_index.dtype)
    src = jnp.concatenate([edge_index[0], loops])
    dst = jnp.concatenate([edge_index[1], loops])
    xw = x @ W
    deg = jnp.zeros((n,), dtype=xw.dtype).at[dst].add(1.0)
    dinv = jnp.where(deg > 0, jax.lax.rsqrt(deg), 0.0)
    norm = (dinv[src] * dinv[dst])[:, None]
    out = jnp.zeros_like(xw).at[dst].add(xw[src] * norm)
    return out + b


def encoder(x, edge_index, W1, b1, W2, b2):
    # dropout inactive in eval mode
    h = jax.nn.relu(gcn_conv(x, edge_index, W1, b1))
    h = jax.nn.relu(gcn_conv(h, edge_index, W2, b2))
    return h


def reference(x, edge_index, a1_W, a1_b, a2_W, a2_b, s1_W, s1_b, s2_W, s2_b,
              t1_W, t1_b, t2_W, t2_b, att_W, att_b, dx_W, dx_b, ds_W, ds_b):
    h_attr = encoder(x, edge_index, a1_W, a1_b, a2_W, a2_b)
    h_struct = encoder(x, edge_index, s1_W, s1_b, s2_W, s2_b)
    h_top = encoder(x, edge_index, t1_W, t1_b, t2_W, t2_b)
    att = jnp.concatenate([h_attr, h_struct, h_top], axis=1) @ att_W + att_b
    att = jax.nn.softmax(jnp.reshape(att, (-1, h_attr.shape[-1], 3)), axis=2)
    h = h_attr * att[:, :, 0] + h_struct * att[:, :, 1] + h_top * att[:, :, 2]
    h = h.astype(jnp.float32)
    x_ = gcn_conv(h, edge_index, dx_W, dx_b)
    h_ = gcn_conv(h, edge_index, ds_W, ds_b)
    s_ = h_ @ h_.T
    return (x_, s_, att)

if __name__ == "__main__":
    import jax
    _d = setup_inputs()
    print(jax.jit(kernel)(*tuple(_d.values())))

</pallas_src>

<mosaic_0001>
#map = affine_map<(d0, d1) -> (0, 0, 0)>
#map1 = affine_map<(d0, d1) -> (0, 0)>
module attributes {stable_mosaic.version = 14 : i64} {
  func.func @_deg_body(%arg0: i32, %arg1: i32, %arg2: memref<32x80x128xi32, #tpu.memory_space<hbm>>, %arg3: memref<32x10240xf32, #tpu.memory_space<hbm>>, %arg4: memref<80x128xi32, #tpu.memory_space<vmem>>, %arg5: memref<10240xf32, #tpu.memory_space<vmem>>) attributes {dimension_semantics = [#tpu.dimension_semantics<core_parallel>, #tpu.dimension_semantics<subcore_parallel>], iteration_bounds = array<i64: 2, 16>, scalar_prefetch = 0 : i64, scratch_operands = 2 : i64, tpu.core_type = #tpu.core_type<sc_vector_subcore>, window_params = [{transform_indices = #map}, {transform_indices = #map1}]} {
    %mul3A = arith.constant 16 : i32
    %mul3A_0 = arith.muli %arg0, %mul3A : i32
    %add3A = arith.addi %mul3A_0, %arg1 : i32
    %broadcast_in_dim3A = arith.constant 0.000000e+00 : f32
    %broadcast_in_dim3A_1 = vector.broadcast %broadcast_in_dim3A : f32 to vector<16xf32>
    %scan3A = arith.constant 0 : i32
    %scan3A_2 = arith.constant 0 : i32
    %scan3A_3 = arith.constant 640 : i32
    %scan3A_4 = arith.addi %scan3A_2, %scan3A_3 : i32
    %scan3A_5 = arith.constant 1 : i32
    scf.for %scan3A_15 = %scan3A_2 to %scan3A_4 step %scan3A_5  : i32 {
      %mul3A_16 = arith.constant 16 : i32
      %mul3A_17 = arith.muli %scan3A_15, %mul3A_16 : i32
      %swap3A = arith.index_cast %mul3A_17 : i32 to index
      %swap3A_18 = tpu.vector_load %arg5[%swap3A] {strides = array<i32>} : memref<10240xf32, #tpu.memory_space<vmem>>, vector<16xf32>,
      tpu.vector_store %arg5[%swap3A], %broadcast_in_dim3A_1 {strides = array<i32>} : memref<10240xf32, #tpu.memory_space<vmem>>, vector<16xf32>,
    }
    %scan3A_6 = arith.constant 640 : i32
    "tpu.region"() ({
      %run_scoped3A = tpu.sem_alloc : memref<!tpu.dma_semaphore, #tpu.memory_space<semaphore_mem>>
      %dma_start3A = arith.constant 0 : i32
      %dma_start3A_15 = arith.constant 0 : i32
      %dma_start3A_16 = tpu.memref_slice %arg2[%add3A, %dma_start3A, %dma_start3A_15] : memref<32x80x128xi32, #tpu.memory_space<hbm>> -> memref<1x80x128xi32, #tpu.memory_space<hbm>>
      %dma_start3A_17 = tpu.memref_squeeze %dma_start3A_16 : memref<1x80x128xi32, #tpu.memory_space<hbm>> -> memref<80x128xi32, #tpu.memory_space<hbm>>
      %dma_start3A_18 = arith.constant 0 : i32
      %dma_start3A_19 = arith.constant 0 : i32
      %dma_start3A_20 = tpu.memref_slice %arg2[%add3A, %dma_start3A_18, %dma_start3A_19] : memref<32x80x128xi32, #tpu.memory_space<hbm>> -> memref<1x80x128xi32, #tpu.memory_space<hbm>>
      %dma_start3A_21 = tpu.memref_squeeze %dma_start3A_20 : memref<1x80x128xi32, #tpu.memory_space<hbm>> -> memref<80x128xi32, #tpu.memory_space<hbm>>
      tpu.enqueue_dma source(%dma_start3A_21 : memref<80x128xi32, #tpu.memory_space<hbm>>) target(%arg4 : memref<80x128xi32, #tpu.memory_space<vmem>>) target_semaphore(%run_scoped3A : memref<!tpu.dma_semaphore, #tpu.memory_space<semaphore_mem>>)
      %dma_wait3A = arith.constant 0 : i32
      %dma_wait3A_22 = arith.constant 0 : i32
      %dma_wait3A_23 = tpu.memref_slice %arg2[%add3A, %dma_wait3A, %dma_wait3A_22] : memref<32x80x128xi32, #tpu.memory_space<hbm>> -> memref<1x80x128xi32, #tpu.memory_space<hbm>>
      %dma_wait3A_24 = tpu.memref_squeeze %dma_wait3A_23 : memref<1x80x128xi32, #tpu.memory_space<hbm>> -> memref<80x128xi32, #tpu.memory_space<hbm>>
      %dma_wait3A_25 = arith.constant 0 : i32
      %dma_wait3A_26 = arith.constant 0 : i32
      %dma_wait3A_27 = tpu.memref_slice %arg2[%add3A, %dma_wait3A_25, %dma_wait3A_26] : memref<32x80x128xi32, #tpu.memory_space<hbm>> -> memref<1x80x128xi32, #tpu.memory_space<hbm>>
      %dma_wait3A_28 = tpu.memref_squeeze %dma_wait3A_27 : memref<1x80x128xi32, #tpu.memory_space<hbm>> -> memref<80x128xi32, #tpu.memory_space<hbm>>
      tpu.wait_dma2 semaphore(%run_scoped3A : memref<!tpu.dma_semaphore, #tpu.memory_space<semaphore_mem>>) src(%dma_wait3A_28 : memref<80x128xi32, #tpu.memory_space<hbm>>) dst(%arg4 : memref<80x128xi32, #tpu.memory_space<vmem>>)
      tpu.yield
    }) : () -> ()
    %broadcast_in_dim3A_7 = arith.constant 1.000000e+00 : f32
    %broadcast_in_dim3A_8 = vector.broadcast %broadcast_in_dim3A_7 : f32 to vector<16xf32>
    %scan3A_9 = arith.constant 0 : i32
    %scan3A_10 = arith.constant 0 : i32
    %scan3A_11 = arith.constant 80 : i32
    %scan3A_12 = arith.addi %scan3A_10, %scan3A_11 : i32
    %scan3A_13 = arith.constant 1 : i32
    scf.for %scan3A_15 = %scan3A_10 to %scan3A_12 step %scan3A_13  : i32 {
      %get3A = arith.index_cast %scan3A_15 : i32 to index
      %get3A_16 = arith.constant 0 : index
      %get3A_17 = tpu.vector_load %arg4[%get3A, %get3A_16] {strides = array<i32>} : memref<80x128xi32, #tpu.memory_space<vmem>>, vector<16xi32>,
      tpu.vector_store_idx %arg5[%get3A_17], %broadcast_in_dim3A_8 {add = true} : memref<10240xf32, #tpu.memory_space<vmem>>[vector<16xi32>], vector<16xf32>,
      %get3A_18 = arith.index_cast %scan3A_15 : i32 to index
      %get3A_19 = arith.constant 16 : index
      %get3A_20 = tpu.vector_load %arg4[%get3A_18, %get3A_19] {strides = array<i32>} : memref<80x128xi32, #tpu.memory_space<vmem>>, vector<16xi32>,
      tpu.vector_store_idx %arg5[%get3A_20], %broadcast_in_dim3A_8 {add = true} : memref<10240xf32, #tpu.memory_space<vmem>>[vector<16xi32>], vector<16xf32>,
      %get3A_21 = arith.index_cast %scan3A_15 : i32 to index
      %get3A_22 = arith.constant 32 : index
      %get3A_23 = tpu.vector_load %arg4[%get3A_21, %get3A_22] {strides = array<i32>} : memref<80x128xi32, #tpu.memory_space<vmem>>, vector<16xi32>,
      tpu.vector_store_idx %arg5[%get3A_23], %broadcast_in_dim3A_8 {add = true} : memref<10240xf32, #tpu.memory_space<vmem>>[vector<16xi32>], vector<16xf32>,
      %get3A_24 = arith.index_cast %scan3A_15 : i32 to index
      %get3A_25 = arith.constant 48 : index
      %get3A_26 = tpu.vector_load %arg4[%get3A_24, %get3A_25] {strides = array<i32>} : memref<80x128xi32, #tpu.memory_space<vmem>>, vector<16xi32>,
      tpu.vector_store_idx %arg5[%get3A_26], %broadcast_in_dim3A_8 {add = true} : memref<10240xf32, #tpu.memory_space<vmem>>[vector<16xi32>], vector<16xf32>,
      %get3A_27 = arith.index_cast %scan3A_15 : i32 to index
      %get3A_28 = arith.constant 64 : index
      %get3A_29 = tpu.vector_load %arg4[%get3A_27, %get3A_28] {strides = array<i32>} : memref<80x128xi32, #tpu.memory_space<vmem>>, vector<16xi32>,
      tpu.vector_store_idx %arg5[%get3A_29], %broadcast_in_dim3A_8 {add = true} : memref<10240xf32, #tpu.memory_space<vmem>>[vector<16xi32>], vector<16xf32>,
      %get3A_30 = arith.index_cast %scan3A_15 : i32 to index
      %get3A_31 = arith.constant 80 : index
      %get3A_32 = tpu.vector_load %arg4[%get3A_30, %get3A_31] {strides = array<i32>} : memref<80x128xi32, #tpu.memory_space<vmem>>, vector<16xi32>,
      tpu.vector_store_idx %arg5[%get3A_32], %broadcast_in_dim3A_8 {add = true} : memref<10240xf32, #tpu.memory_space<vmem>>[vector<16xi32>], vector<16xf32>,
      %get3A_33 = arith.index_cast %scan3A_15 : i32 to index
      %get3A_34 = arith.constant 96 : index
      %get3A_35 = tpu.vector_load %arg4[%get3A_33, %get3A_34] {strides = array<i32>} : memref<80x128xi32, #tpu.memory_space<vmem>>, vector<16xi32>,
      tpu.vector_store_idx %arg5[%get3A_35], %broadcast_in_dim3A_8 {add = true} : memref<10240xf32, #tpu.memory_space<vmem>>[vector<16xi32>], vector<16xf32>,
      %get3A_36 = arith.index_cast %scan3A_15 : i32 to index
      %get3A_37 = arith.constant 112 : index
      %get3A_38 = tpu.vector_load %arg4[%get3A_36, %get3A_37] {strides = array<i32>} : memref<80x128xi32, #tpu.memory_space<vmem>>, vector<16xi32>,
      tpu.vector_store_idx %arg5[%get3A_38], %broadcast_in_dim3A_8 {add = true} : memref<10240xf32, #tpu.memory_space<vmem>>[vector<16xi32>], vector<16xf32>,
    }
    %scan3A_14 = arith.constant 80 : i32
    "tpu.region"() ({
      %run_scoped3A = tpu.sem_alloc : memref<!tpu.dma_semaphore, #tpu.memory_space<semaphore_mem>>
      %dma_start3A = arith.constant 0 : i32
      %dma_start3A_15 = tpu.memref_slice %arg3[%add3A, %dma_start3A] : memref<32x10240xf32, #tpu.memory_space<hbm>> -> memref<1x10240xf32, #tpu.memory_space<hbm>>
      %dma_start3A_16 = tpu.memref_squeeze %dma_start3A_15 : memref<1x10240xf32, #tpu.memory_space<hbm>> -> memref<10240xf32, #tpu.memory_space<hbm>>
      %dma_start3A_17 = arith.constant 0 : i32
      %dma_start3A_18 = tpu.memref_slice %arg3[%add3A, %dma_start3A_17] : memref<32x10240xf32, #tpu.memory_space<hbm>> -> memref<1x10240xf32, #tpu.memory_space<hbm>>
      %dma_start3A_19 = tpu.memref_squeeze %dma_start3A_18 : memref<1x10240xf32, #tpu.memory_space<hbm>> -> memref<10240xf32, #tpu.memory_space<hbm>>
      tpu.enqueue_dma source(%arg5 : memref<10240xf32, #tpu.memory_space<vmem>>) target(%dma_start3A_19 : memref<10240xf32, #tpu.memory_space<hbm>>) target_semaphore(%run_scoped3A : memref<!tpu.dma_semaphore, #tpu.memory_space<semaphore_mem>>)
      %dma_wait3A = arith.constant 0 : i32
      %dma_wait3A_20 = tpu.memref_slice %arg3[%add3A, %dma_wait3A] : memref<32x10240xf32, #tpu.memory_space<hbm>> -> memref<1x10240xf32, #tpu.memory_space<hbm>>
      %dma_wait3A_21 = tpu.memref_squeeze %dma_wait3A_20 : memref<1x10240xf32, #tpu.memory_space<hbm>> -> memref<10240xf32, #tpu.memory_space<hbm>>
      %dma_wait3A_22 = arith.constant 0 : i32
      %dma_wait3A_23 = tpu.memref_slice %arg3[%add3A, %dma_wait3A_22] : memref<32x10240xf32, #tpu.memory_space<hbm>> -> memref<1x10240xf32, #tpu.memory_space<hbm>>
      %dma_wait3A_24 = tpu.memref_squeeze %dma_wait3A_23 : memref<1x10240xf32, #tpu.memory_space<hbm>> -> memref<10240xf32, #tpu.memory_space<hbm>>
      tpu.wait_dma2 semaphore(%run_scoped3A : memref<!tpu.dma_semaphore, #tpu.memory_space<semaphore_mem>>) src(%arg5 : memref<10240xf32, #tpu.memory_space<vmem>>) dst(%dma_wait3A_24 : memref<10240xf32, #tpu.memory_space<hbm>>)
      tpu.yield
    }) : () -> ()
    return
  }
}

</mosaic_0001>

<sc_bundles>
// kernel: _sc_degree.3.cloned.1.call-start
scs
__scs_entry_jumppad:
0x0: {  	(pc) =	sbr.rel $0x88, $3  }
0x1: {  	(tag) =	ssettag $0x0;
	lr =	simm.s32 $0x1  }
0x2: {  	[smem:$0x3FA0] =	sst lr;
	_ =	strace $0xD0000000  }
0x3: {  	_ = 	snop  }
0x4: {  	_ = 	snop  }
0x5: {  	_ = 	snop  }
0x6: {  	_ = 	snop  }
0x7: {  	_ = 	snop  }
__scs_overlays_trampoline_lowered:
0x8: {  	[smem:$0x3FAF] =	sst s0  }
0x9: {  	[smem:$0x3FB0] =	sst s1  }
0xa: {  	[smem:$0x3FB1] =	sst s2  }
0xb: {  	[smem:$0x3FB2] =	sst s3  }
0xc: {  	[smem:$0x3FB3] =	sst s4  }
0xd: {  	[smem:$0x3FB4] =	sst s5  }
0xe: {  	[smem:$0x3FB5] =	sst s6  }
0xf: {  	[smem:$0x3FB6] =	sst s7  }
0x10: {  	[smem:$0x3FB7] =	sst s8  }
0x11: {  	[smem:$0x3FB8] =	sst s9;
	s0 =	simm.s32 @!p0 $0x0  }
0x12: {  	s1 =	sld [smem:$0x3F9E];
	s0 =	simm.s32 @p0 $0x1  }
0x13: {  	[smem:$0x3FB9] =	sst s0;
	s0 =	simm.s32 @!p1 $0x0  }
0x14: {  	s2 =	sld [smem:$0x3F9D];
	s0 =	simm.s32 @p1 $0x1  }
0x15: {  	[smem:$0x3FBA] =	sst s0;
	s0 =	simm.s32 @!p2 $0x0  }
0x16: {  	s3 =	sld [smem:$0x3FDB];
	s0 =	simm.s32 @p2 $0x1  }
0x17: {  	s4 =	simm.s32 $0x1BF5;
	[smem:$0x3FBC] =	sst s0  }
0x18: {  	s0 =	sld [smem:$0x3F9F];
	_ =	swait.ge [sflag:s4], $0x0  }
0x19: {  	s7 =	sld [smem:$0x3FA0]  }
0x1a: {  	s8 =	sadd.s32 $0xFFFFE003, lr  }
0x1b: {  	s9 =	sadd.s32 $0xFFFFFEF7, lr;
	s5 =	simm.s32 $0xFFFFFFFF;
	p2 =	slt.u32 s8, $0xFFFFF086  }
0x1c: {  	p1 =	slt.u32 s9, $0xF7A;
	s5 =	simm.s32 @!p2 $0x0  }
0x1d: {  	s5 =	simm.s32 @p1 $0x1;
	p0 =	seq.s32 s7, s2  }
0x1e: {  	s7 =	smul.u32 @!p0 $0xF7A, s2;
	p2 =	seq.s32 @!p0 s5, $0x0  }
0x1f: {  	s9 =	smul.u32 $0xF7A, s1;
	s8 =	simm.s32 @!p0 $0x1BF5;
	p2 =	por !p2, p0  }
0x20: {  	[sflag:s8] =	ssyncset.s32 @!p0 $0xFFFFF086;
	s6 =	sadd.s32 @!p0 s3, s7;
	s7 =	simm.s32 @!p0 $0x108  }
0x21: {  	s3 =	sadd.s32 s3, s9;
	s6 =	sadd.s32 @!p0 $0x88, s6;
	s7 =	simm.s32 @p2 $0x1082  }
0x22: {  	[simem:s7], [sflag:s8] =	dma.local @!p0 [hbm:s6], $0xF7A  }
0x23: {  	s9 =	sor.u32 $0xD0000000, s2;
	s6 =	simm.s32 $0x108;
	_ =	swait.ge @!p0 [sflag:s8], $0x0  }
0x24: {  	s3 =	sadd.s32 $0x88, s3;
	s6 =	simm.s32 @!p1 $0x1082;
	[sflag:s4] =	ssyncset.s32 $0xFFFFF086  }
0x25: {  	[simem:s6], [sflag:s4] =	dma.local [hbm:s3], $0xF7A  }
0x26: {  	[smem:$0x3FA0] =	sst s1;
	(tag) =	ssettag s2;
	_ =	strace s9  }
0x27: {  	s1 =	sld [smem:$0x3FB0]  }
0x28: {  	s2 =	sld [smem:$0x3FB1]  }
0x29: {  	s4 =	sld [smem:$0x3FB3]  }
0x2a: {  	p0 =	seq.s32 s5, $0x0;
	s5 =	sld [smem:$0x3FB4]  }
0x2b: {  	s6 =	sld [smem:$0x3FB5]  }
0x2c: {  	s7 =	sld [smem:$0x3FB6]  }
0x2d: {  	s3 =	simm.s32 $0x108;
	s8 =	sld [smem:$0x3FB7]  }
0x2e: {  	s3 =	simm.s32 @!p0 $0x1082;
	s9 =	sld [smem:$0x3FB8]  }
0x2f: {  	lr =	sadd.s32 s0, s3;
	s0 =	sld [smem:$0x3FAF]  }
0x30: {  	s3 =	sld [smem:$0x3FB2]  }
0x31: {  	[smem:$0x3FBB] =	sst s10  }
0x32: {  	s10 =	sld [smem:$0x3FB9];
	_ =	sdelay $0x3  }
0x33: {  	p0 =	seq.s32 s10, $0x1;
	s10 =	sld [smem:$0x3FBB];
	_ =	sdelay $0x3  }
0x34: {  	[smem:$0x3FBB] =	sst s10  }
0x35: {  	s10 =	sld [smem:$0x3FBA];
	_ =	sdelay $0x3  }
0x36: {  	p1 =	seq.s32 s10, $0x1;
	s10 =	sld [smem:$0x3FBB];
	_ =	sdelay $0x3  }
0x37: {  	[smem:$0x3FBB] =	sst s10  }
0x38: {  	s10 =	sld [smem:$0x3FBC]  }
0x39: {  	_ = 	snop;
	(pc) =	sbr.ind lr, $3  }
0x3a: {  	_ = 	snop  }
0x3b: {  	_ = 	snop  }
0x3c: {  	p2 =	seq.s32 s10, $0x1;
	s10 =	sld [smem:$0x3FBB]  }
0x3d: {  	_ =	shalt  }
0x3e: {  	_ =	shalt  }
0x3f: {  	_ =	shalt  }
0x40: {  	_ =	shalt  }
0x41: {  	_ =	shalt  }
0x42: {  	_ =	shalt  }
0x43: {  	_ =	shalt  }
0x44: {  	_ =	shalt  }
0x45: {  	_ =	shalt  }
0x46: {  	_ =	shalt  }
0x47: {  	_ =	shalt  }
0x48: {  	_ =	shalt  }
0x49: {  	_ =	shalt  }
0x4a: {  	_ =	shalt  }
0x4b: {  	_ =	shalt  }
0x4c: {  	_ =	shalt  }
0x4d: {  	_ =	shalt  }
0x4e: {  	_ =	shalt  }
0x4f: {  	_ =	shalt  }
0x50: {  	_ =	shalt  }
0x51: {  	_ =	shalt  }
0x52: {  	_ =	shalt  }
0x53: {  	_ =	shalt  }
0x54: {  	_ =	shalt  }
0x55: {  	_ =	shalt  }
0x56: {  	_ =	shalt  }
0x57: {  	_ =	shalt  }
0x58: {  	_ =	shalt  }
0x59: {  	_ =	shalt  }
0x5a: {  	_ =	shalt  }
0x5b: {  	_ =	shalt  }
0x5c: {  	_ =	shalt  }
0x5d: {  	_ =	shalt  }
0x5e: {  	_ =	shalt  }
0x5f: {  	_ =	shalt  }
0x60: {  	_ =	shalt  }
0x61: {  	_ =	shalt  }
0x62: {  	_ =	shalt  }
0x63: {  	_ =	shalt  }
0x64: {  	_ =	shalt  }
0x65: {  	_ =	shalt  }
0x66: {  	_ =	shalt  }
0x67: {  	_ =	shalt  }
0x68: {  	_ =	shalt  }
0x69: {  	_ =	shalt  }
0x6a: {  	_ =	shalt  }
0x6b: {  	_ =	shalt  }
0x6c: {  	_ =	shalt  }
0x6d: {  	_ =	shalt  }
0x6e: {  	_ =	shalt  }
0x6f: {  	_ =	shalt  }
0x70: {  	_ =	shalt  }
0x71: {  	_ =	shalt  }
0x72: {  	_ =	shalt  }
0x73: {  	_ =	shalt  }
0x74: {  	_ =	shalt  }
0x75: {  	_ =	shalt  }
0x76: {  	_ =	shalt  }
0x77: {  	_ =	shalt  }
0x78: {  	_ =	shalt  }
0x79: {  	_ =	shalt  }
0x7a: {  	_ =	shalt  }
0x7b: {  	_ =	shalt  }
0x7c: {  	_ =	shalt  }
0x7d: {  	_ =	shalt  }
0x7e: {  	_ =	shalt  }
0x7f: {  	_ =	shalt  }
0x80: {  	_ =	shalt  }
0x81: {  	_ =	shalt  }
0x82: {  	_ =	shalt  }
0x83: {  	_ =	shalt  }
0x84: {  	_ =	shalt  }
0x85: {  	_ =	shalt  }
0x86: {  	_ =	shalt  }
0x87: {  	_ =	shalt  }
.Lfunc_end0:
.L_simem_size_0:
called_computation_lowered:
.L_overlay_start_0:
0x88: {  	s2 =	sld [smem:$0x3FD9]  }
0x89: {  	s3 =	sld [smem:$0x3FFE];
	_ =	sdelay $0x1  }
0x8a: {  	s1 =	srdreg.scid  }
0x8b: {  	s0 =	sand.u32 $0x1, s1  }
0x8c: {  	s18 =	sshll.u32 s0, $0xA;
	s2 =	sadd.s32 s3, s2  }
0x8d: {  	s2 =	sadd.s32 s2, s18  }
0x8e: {  	[smem:$0x3FC7] =	sst s2  }
0x8f: {  	_ = 	snop  }
0x90: {  	s2 =	sld [smem:$0x3FC9]  }
0x91: {  	s19 =	sld [smem:$0x3FD0];
	(tm) =	ssettm $0x1  }
0x92: {  	s4 =	sld [smem:$0x3FFB];
	_ =	sdelay $0x3  }
0x93: {  	_ =	strace s4  }
0x94: {  	s4 =	sld [smem:$0x3FFC];
	_ =	sdelay $0x3  }
0x95: {  	_ =	strace s4  }
0x96: {  	s4 =	sld [smem:$0x3FFD];
	_ =	sdelay $0x3  }
0x97: {  	_ =	strace s4  }
0x98: {  	_ =	strace $0x8FFFFFFF  }
0x99: {  	s20 =	sld [smem:$0x3FDB];
	_ =	sdelay $0x1  }
0x9a: {  	s5 =	simm.s32 $_scs_section_size  }
0x9b: {  	s6 =	simm.s32 $_size__tile_overlayer_lowered;
	s7 =	simm.s32 $_tile_overlayer_lowered  }
0x9c: {  	s23 =	simm.s32 $0x1BFF;
	s22 =	sshll.u32 s7, $0x1;
	s4 =	sadd.s32 s5, s20  }
0x9d: {  	s8 =	simm.s32 $0x0;
	s21 =	sshll.u32 s6, $0x1;
	s6 =	sadd.s32 s22, s4  }
0x9e: {  	[timem:s8], [sflag:s23] =	dma.local [hbm:s6], s21  }
0x9f: {  	_ =	swait.ge [sflag:s23], s21  }
0xa0: {  	s5 =	ssub.s32 $0x0, s21;
	[sflag:s23] =	ssyncset.done $0x0  }
0xa1: {  	[sflag:s23] =	ssyncadd.s32 s5;
	_ =	sdelay $0x1  }
0xa2: {  	s24 =	simm.s32 $0x1B8B  }
0xa3: {  	_ =	swait.ge [sflag:s24], $0x1  }
0xa4: {  	[sflag:s24] =	ssyncset.done $0x0  }
0xa5: {  	s25 =	simm.s32 $0x1B8E;
	[sflag:s24] =	ssyncadd.s32 $0xFFFFFFFF  }
0xa6: {  	s26 =	simm.s32 $execute0_lowered;
	[smem:$0x3FD2] =	sst s25  }
0xa7: {  	s5 =	sshll.u32 s26, $0x1;
	_ =	strace $0x80000046;
	[dreg:$0x1] =	wrdreg $0xFFFFFFFF  }
0xa8: {  	s28 =	simm.s32 $_size_execute0_lowered;
	s4 =	sadd.s32 s4, s5;
	[dreg:$0x0] =	wrdreg $0x0  }
0xa9: {  	s5 =	sshll.u32 s28, $0x1;
	[dreg:$0x2] =	wrdreg s4  }
0xaa: {  	[dreg:$0x3] =	wrdreg s5  }
0xab: {  	[dreg:$0x4] =	wrdreg $0xC0  }
0xac: {  	_ =	task [dreg:s8], $0x5FFFF  }
0xad: {  	[dreg:$0x1] =	wrdreg $0xFFFFFFFF  }
0xae: {  	[dreg:$0x0] =	wrdreg $0x60  }
0xaf: {  	[dreg:$0x2] =	wrdreg s2  }
0xb0: {  	[dreg:$0x3] =	wrdreg s19  }
0xb1: {  	[dreg:$0x4] =	wrdreg $0x9  }
0xb2: {  	_ =	task.clear_ibuf [dreg:s8], $0x5FFFF;
	_ =	strace $0x90000046  }
0xb3: {  	s29 =	simm.s32 $0x9;
	_ =	strace $0x80000048  }
0xb4: {  	_ =	swait.ge [sflag:s29], $0x1  }
0xb5: {  	[sflag:s29] =	ssyncadd.s32 $0xFFFFFFFF  }
0xb6: {  	_ =	strace $0x90000048  }
0xb7: {  	_ =	sfence  }
0xb8: {  	s30 =	sld [smem:$0x0];
	_ =	sdelay $0x2  }
0xb9: {  	s31 =	sshll.u32 s1, $0xD;
	s1 =	sshrl.u32 s1, $0x2  }
0xba: {  	s3 =	sand.u32 $0x4000, s31;
	s1 =	sadd.s32 s1, s30  }
0xbb: {  	s0 =	sor.u32 s3, s0;
	s1 =	sshll.u32 s1, $0x11  }
0xbc: {  	s0 =	sor.u32 s1, s0  }
0xbd: {  	s0 =	sadd.s32 $0x8F2B, s0  }
0xbe: {  	[sflag:s0] =	ssyncadd.remote.s32 $0x1  }
0xbf: {  	_ =	sfence.sel $0xFFFF  }
0xc0: {  	[dreg:$0x0] =	wrdreg $0xFFFFFFFF;
	(pc) =	sbr.abs _section_cstart, $3  }
0xc1: {  	[dreg:$0x1] =	wrdreg $0xFFFFFFFF  }
0xc2: {  	_ =	task.clear_ibuf [dreg:s8], $0x2FFFF;
	_ =	strace $0x9FFFFFFF  }
0xc3: {  	(tm) =	ssettm $0x7FFFFFFF  }
tec
execute0_lowered:
.L_overlay_start_1:
0x0: {  	(tag) =	ssettag $0x1  }
0x1: {  	s0 =	srdreg.scid;
	s4 =	rddreg [dreg:$0x0]  }
0x2: {  	s5 =	rddreg [dreg:$0x1];
	s3 =	sand.u32 $0x1, s0  }
0x3: {  	s2 =	simm.s32 $0x0;
	s0 =	stileid.u32;
	s1 =	sshll.u32 s3, $0x4  }
0x4: {  	[smem:$0x7FF] =	sst s2;
	s8 =	sshll.u32 s0, $0x7;
	s6 =	sor.u32 s0, s1  }
0x5: {  	s3 =	ssub.s32 $0x2, s3;
	s7 =	sshrl.u32 s6, $0x3;
	s6 =	smul.u32 $0x500, s6  }
0x6: {  	s1 =	rddreg [dreg:$0x2];
	s9 =	sshrl.u32 s3, $0x1;
	s7 =	smul.u32 $0x14000, s7  }
0x7: {  	s8 =	sand.u32 $0x380, s8;
	_ =	strace $0x80000047;
	s30 =	ssub.s32 s3, s9  }
0x8: {  	s9 =	simm.s32 $0x400;
	s3 =	sadd.s32 s4, s6;
	s7 =	sor.u32 s8, s7  }
0x9: {  	s6 =	simm.s32 $0x1;
	s8 =	simm.s32 $0x80;
	s31 =	sshrl.u32 s7, $0x3  }
0xa: {  	v0 =	vimm.f32 $0.0e+00;
	v1 =	vimm.f32 $1.000000000e+00;
	s7 =	simm.s32 $0x2800;
	s4 =	sadd.s32 s5, s31;
	s5 =	smax.u32 s30, $0x1  }
.LBB2_1:
0xb: {  	s10 =	simm.s32 $0x40;
	s11 =	simm.s32 $0x0  }
.LBB2_2:
0xc: {  	p0 =	sne.s32 s10, $0x9FC0;
	[tilespmem:s11+$0x2800] =	vst v0;
	s11 =	smov.u32 s10;
	s10 =	sadd.s32 $0x40, s10  }
.Ltmp0:
0xd: {  	(pc) =	sbr.rel @p0 .LBB2_2-.Ltmp0, $2  }
0xe: {  	_ =	sdelay $0x2  }
0xf: {  	s11 =	sshra.s32 s11, $0x2  }
0x10: {  	[tilespmem:s11+$0x2800] =	vst v0;
	s10 =	simm.s32 $0x0  }
0x11: {  	[tilespmem:s10], [sflag:$0x1] =	stream.linear.gather [hbm4b:s3+s10], $0x2800, $0x38;
	[tilespmem:$0x5000] =	vst v63  }
0x12: {  	_ =	swait.ge [sflag:s6], $0x2800  }
0x13: {  	[sflag:s6] =	ssyncset.done $0x0  }
0x14: {  	[sflag:s6] =	ssyncadd.s32 $0xFFFFD800  }
.LBB2_4:
0x15: {  	s11 =	sshra.s32 s10, $0x2  }
0x16: {  	v2 =	vld [tilespmem:s11+$0x0];
	_ =	sdelay $0x7  }
0x17: {  	[tilespmem:v2+s7+$0x0] =	vst.idx.add.f32.msk $0xffff, v1  }
0x18: {  	v2 =	vld [tilespmem:s11+$0x10];
	_ =	sdelay $0x7  }
0x19: {  	[tilespmem:v2+s7+$0x0] =	vst.idx.add.f32.msk $0xffff, v1  }
0x1a: {  	v2 =	vld [tilespmem:s11+$0x20];
	_ =	sdelay $0x7  }
0x1b: {  	[tilespmem:v2+s7+$0x0] =	vst.idx.add.f32.msk $0xffff, v1  }
0x1c: {  	v2 =	vld [tilespmem:s11+$0x30];
	_ =	sdelay $0x7  }
0x1d: {  	[tilespmem:v2+s7+$0x0] =	vst.idx.add.f32.msk $0xffff, v1  }
0x1e: {  	v2 =	vld [tilespmem:s11+$0x40];
	_ =	sdelay $0x7  }
0x1f: {  	[tilespmem:v2+s7+$0x0] =	vst.idx.add.f32.msk $0xffff, v1  }
0x20: {  	v2 =	vld [tilespmem:s11+$0x50];
	_ =	sdelay $0x7  }
0x21: {  	[tilespmem:v2+s7+$0x0] =	vst.idx.add.f32.msk $0xffff, v1  }
0x22: {  	v2 =	vld [tilespmem:s11+$0x60];
	_ =	sdelay $0x7  }
0x23: {  	[tilespmem:v2+s7+$0x0] =	vst.idx.add.f32.msk $0xffff, v1  }
0x24: {  	v2 =	vld [tilespmem:s11+$0x70];
	_ =	sdelay $0x2  }
0x25: {  	p0 =	sne.s32 s10, $0x9E00  }
.Ltmp1:
0x26: {  	_ = 	snop;
	(pc) =	sbr.rel @p0 .LBB2_4-.Ltmp1, $2  }
0x27: {  	_ =	sdelay $0x2  }
0x28: {  	s10 =	sadd.s32 $0x200, s10;
	[tilespmem:v2+s7+$0x0] =	vst.idx.add.f32.msk $0xffff, v1  }
0x29: {  	s2 =	sadd.s32 $0x1, s2  }
0x2a: {  	p0 =	sne.s32 s2, s5  }
.Ltmp2:
0x2b: {  	_ = 	snop;
	(pc) =	sbr.rel @p0 .LBB2_1-.Ltmp2, $4  }
0x2c: {  	[hbm4b:s4+s8] =	stream.strided.scatter [tilespmem:s7], [sflag:$0x1], $0x2800, s9, s8, $0x38;
	[tilespmem:$0x5000] =	vst v63  }
0x2d: {  	_ =	swait.ge [sflag:s6], $0x2800  }
0x2e: {  	[sflag:s6] =	ssyncset.done $0x0  }
0x2f: {  	[sflag:s6] =	ssyncadd.s32 $0xFFFFD800  }
0x30: {  	_ =	sfence.sel $0x180000  }
0x31: {  	[bflag:$0x0] =	sbarrier.arrive $0xFFFF  }
0x32: {  	p0 =	sne.s32 s0, $0x0;
	_ =	strace $0x90000047  }
0x33: {  	s0 =	sadd.s32 @!p0 $0x100000, s1;
	[bflag:$0x2] =	sbarrier.arrive $0xFFFF  }
0x34: {  	[sflag:s0] =	ssyncadd.tile.s32 @!p0 $0x1;
	_ =	shalt  }
.Lfunc_end2:
_tile_overlayer_lowered:
.L_overlay_start_2:
0x35: {  	(tag) =	ssettag $0x2  }
0x36: {  	s0 =	rddreg [dreg:$0x0];
	s2 =	stileid.u32  }
0x37: {  	s1 =	rddreg [dreg:$0x1];
	p0 =	sne.s32 s2, $0x0  }
0x38: {  	s3 =	rddreg [dreg:$0x2];
	[bflag:$0x3] =	sbarrier.arrive $0xFFFF;
	s2 =	simm.s32 @!p0 $0x1C01  }
0x39: {  	[timem:s3], [sflag:s2] =	dma.local @!p0 [hbm:s0], s1  }
0x3a: {  	s0 =	simm.s32 @!p0 $0x1  }
0x3b: {  	_ =	swait.ge @!p0 [sflag:s0], s1  }
0x3c: {  	s1 =	ssub.s32 @!p0 $0x0, s1;
	[sflag:s0] =	ssyncset.done @!p0 $0x0  }
0x3d: {  	[sflag:s0] =	ssyncadd.s32 @!p0 s1  }
0x3e: {  	[bflag:$0x3] =	sbarrier.arrive $0xFFFF  }
0x3f: {  	_ =	shalt  }

</sc_bundles>
